<compile_context>
chip_gen: v7x
topology: tpu7x:2x2x1
jax: 0.10.2.dev20260603
libtpu: 0.0.44.dev20260713+nightly
codegen_flags: <defaults>
</compile_context>

<pallas_src>
import jax
import jax.numpy as jnp
from jax.experimental import pallas as pl

KNN_K = 16


def _matmul_body(x_ref, w_ref, o_ref):
    o_ref[...] = jnp.dot(x_ref[...], w_ref[...],
                         preferred_element_type=jnp.float32)


def _proj(x, wt):
    M, C = x.shape
    C2 = wt.shape[1]
    BM = 512
    return pl.pallas_call(
        _matmul_body,
        grid=(M // BM,),
        in_specs=[pl.BlockSpec((BM, C), lambda i: (i, 0)),
                  pl.BlockSpec((C, C2), lambda i: (0, 0))],
        out_specs=pl.BlockSpec((BM, C2), lambda i: (i, 0)),
        out_shape=jax.ShapeDtypeStruct((M, C2), jnp.float32),
    )(x, wt)


def kernel(feats, coords, Wq, Wk, Wv, Wo, log_gamma):
    B, N, C = feats.shape
    q = feats @ Wq.T
    k_ = feats @ Wk.T
    v = feats @ Wv.T
    x2 = jnp.sum(coords * coords, axis=-1)
    d2 = x2[:, :, None] + x2[:, None, :] - 2.0 * jnp.einsum(
        'bnd,bmd->bnm', coords, coords)
    _, idx = jax.lax.top_k(-d2, min(KNN_K, N))
    gather = jax.vmap(lambda p, i: p[i])
    k_neigh = gather(k_, idx)
    v_neigh = gather(v, idx)
    coord_neigh = gather(coords, idx)
    diff = coords[:, :, None, :] - coord_neigh
    dd2 = jnp.sum(diff * diff, axis=-1)
    safe = jnp.where(dd2 > 0, dd2, 1.0)
    dist = jnp.where(dd2 > 0, jnp.sqrt(safe), 0.0)
    gamma_w = jnp.exp(log_gamma * dist)
    scores = jnp.sum(q[:, :, None, :] * k_neigh, axis=-1) / jnp.sqrt(
        jnp.asarray(C, jnp.float32))
    scores = scores * gamma_w
    weights = jax.nn.softmax(scores, axis=2)
    agg = jnp.sum(weights[..., None] * v_neigh, axis=2)
    out = _proj(agg.reshape(B * N, C), Wo.T).reshape(B, N, C)
    return out

# --- scband reference (transcript-rebuilt; emitter-appended) ---
"""Pipeline reference for scband-point-enablock-73512660238918 (READ-ONLY COPY).

The authoritative reference and input builder live on the scoring server;
editing this copy changes nothing except your own understanding.
"""

import jax, jax.numpy as jnp
import numpy as np

KNN_K = 16


def _knn_idx(coords, k):
    # squared euclidean pairwise distances (same ordering as torch.cdist p=2)
    x2 = jnp.sum(coords * coords, axis=-1)
    d2 = x2[:, :, None] + x2[:, None, :] - 2.0 * jnp.einsum('bnd,bmd->bnm', coords, coords)
    _, idx = jax.lax.top_k(-d2, k)  # k smallest distances
    return idx


def _index_points(points, idx):
    # points: (B, N, C), idx: (B, N, k) -> (B, N, k, C)
    return jax.vmap(lambda p, i: p[i])(points, idx)


def _safe_dist(diff):
    d2 = jnp.sum(diff * diff, axis=-1)
    safe = jnp.where(d2 > 0, d2, 1.0)
    return jnp.where(d2 > 0, jnp.sqrt(safe), 0.0)


def setup_inputs(seed: int = 0):
    key = jax.random.key(seed)
    ks = jax.random.split(key, 8)
    B, N, C = 2, 4096, 128
    feats = jax.random.normal(ks[0], (B, N, C), dtype=jnp.float32)
    coords = jax.random.uniform(ks[1], (B, N, 3), dtype=jnp.float32)
    s = 1.0 / np.sqrt(C)
    Wq = jax.random.normal(ks[2], (C, C), dtype=jnp.float32) * s
    Wk = jax.random.normal(ks[3], (C, C), dtype=jnp.float32) * s
    Wv = jax.random.normal(ks[4], (C, C), dtype=jnp.float32) * s
    Wo = jax.random.normal(ks[5], (C, C), dtype=jnp.float32) * s
    log_gamma = jnp.log(jnp.asarray(0.92, dtype=jnp.float32))
    return {"feats": feats, "coords": coords, "Wq": Wq, "Wk": Wk, "Wv": Wv, "Wo": Wo, "log_gamma": log_gamma}


def reference(feats, coords, Wq, Wk, Wv, Wo, log_gamma):
    B, N, C = feats.shape
    q = feats @ Wq.T
    k_ = feats @ Wk.T
    v = feats @ Wv.T
    idx = _knn_idx(coords, min(KNN_K, N))
    k_neigh = _index_points(k_, idx)
    v_neigh = _index_points(v, idx)
    coord_neigh = _index_points(coords, idx)
    diff = coords[:, :, None, :] - coord_neigh
    dist = _safe_dist(diff)
    gamma_w = jnp.exp(log_gamma * dist)
    scores = jnp.sum(q[:, :, None, :] * k_neigh, axis=-1) / jnp.sqrt(jnp.asarray(C, jnp.float32))
    scores = scores * gamma_w
    weights = jax.nn.softmax(scores, axis=2)
    agg = jnp.sum(weights[..., None] * v_neigh, axis=2)
    out = agg @ Wo.T
    return out

if __name__ == "__main__":
    import jax
    _d = setup_inputs()
    print(jax.jit(kernel)(*tuple(_d.values())))

</pallas_src>

<mosaic_0001>
module attributes {stable_mosaic.version = 14 : i64} {
  func.func @_matmul_body(%arg0: i32, %arg1: memref<512x128xf32, #tpu.memory_space<vmem>>, %arg2: memref<128x128xf32, #tpu.memory_space<vmem>>, %arg3: memref<512x128xf32, #tpu.memory_space<vmem>>) attributes {dimension_semantics = [#tpu.dimension_semantics<arbitrary>], iteration_bounds = array<i64: 16>, scalar_prefetch = 0 : i64, scratch_operands = 0 : i64, tpu.core_type = #tpu.core_type<tc>, window_params = [{transform_indices = @transform_0, window_bounds = array<i64: 512, 128>}, {pipeline_mode = #tpu.pipeline_mode<synchronous>, transform_indices = @transform_1, window_bounds = array<i64: 128, 128>}, {transform_indices = @transform_2, window_bounds = array<i64: 512, 128>}]} {
    %get3A = arith.constant 0 : index
    %get3A_0 = arith.constant 0 : index
    %get3A_1 = vector.load %arg1[%get3A, %get3A_0] : memref<512x128xf32, #tpu.memory_space<vmem>>, vector<512x128xf32>
    %get3A_2 = arith.constant 0 : index
    %get3A_3 = arith.constant 0 : index
    %get3A_4 = vector.load %arg2[%get3A_2, %get3A_3] : memref<128x128xf32, #tpu.memory_space<vmem>>, vector<128x128xf32>
    %dot_general3A = arith.constant dense<0.000000e+00> : vector<512x128xf32>
    %dot_general3A_5 = tpu.matmul %get3A_1, %get3A_4, %dot_general3A {dimension_numbers = #tpu.dot_dimension_numbers<[1], [0], [0], [1], [0, 0, 1, 1], [], []>, transpose_lhs_hint = false} : vector<512x128xf32>, vector<128x128xf32>, vector<512x128xf32> -> vector<512x128xf32>
    %swap3A = arith.constant 0 : index
    %swap3A_6 = arith.constant 0 : index
    %swap3A_7 = vector.load %arg3[%swap3A, %swap3A_6] : memref<512x128xf32, #tpu.memory_space<vmem>>, vector<512x128xf32>
    tpu.vector_store %arg3[%swap3A, %swap3A_6], %dot_general3A_5 {strides = array<i32>} : memref<512x128xf32, #tpu.memory_space<vmem>>, vector<512x128xf32>,
    return
  }
  func.func @transform_0(%arg0: i32) -> (i32, i32) {
    %c0_i32 = arith.constant 0 : i32
    %c0_i32_0 = arith.constant 0 : i32
    return %arg0, %c0_i32 : i32, i32
  }
  func.func @transform_1(%arg0: i32) -> (i32, i32) {
    %c0_i32 = arith.constant 0 : i32
    %c0_i32_0 = arith.constant 0 : i32
    %c0_i32_1 = arith.constant 0 : i32
    return %c0_i32, %c0_i32_0 : i32, i32
  }
  func.func @transform_2(%arg0: i32) -> (i32, i32) {
    %c0_i32 = arith.constant 0 : i32
    %c0_i32_0 = arith.constant 0 : i32
    return %arg0, %c0_i32 : i32, i32
  }
}

</mosaic_0001>

<sc_bundles>
// kernel: sparse-core-data-format-call.cloned.1.call-start
scs
called_computation_lowered:
.L_overlay_start_0:
0x0: {  	s1 =	sld [smem:$0x3FD9]  }
0x1: {  	s2 =	sld [smem:$0x3FFE];
	_ =	sdelay $0x1  }
0x2: {  	s3 =	srdreg.scid  }
0x3: {  	s0 =	sand.u32 $0x1, s3  }
0x4: {  	s17 =	sshll.u32 s0, $0xA;
	s1 =	sadd.s32 s2, s1  }
0x5: {  	s1 =	sadd.s32 s1, s17  }
0x6: {  	[smem:$0x3FC1] =	sst s1  }
0x7: {  	_ = 	snop  }
0x8: {  	(tm) =	ssettm $0x1  }
0x9: {  	s18 =	sld [smem:$0x3FFB];
	_ =	sdelay $0x3  }
0xa: {  	_ =	strace s18  }
0xb: {  	s1 =	sld [smem:$0x3FFC];
	_ =	sdelay $0x3  }
0xc: {  	_ =	strace s1  }
0xd: {  	s1 =	sld [smem:$0x3FFD];
	_ =	sdelay $0x3  }
0xe: {  	_ =	strace s1  }
0xf: {  	_ =	strace $0x8FFFFFFF  }
0x10: {  	s19 =	sld [smem:$0x3FDB];
	_ =	sdelay $0x1  }
0x11: {  	s20 =	simm.s32 $_scs_section_size  }
0x12: {  	s4 =	simm.s32 $_size__tile_overlayer_lowered;
	s5 =	simm.s32 $_tile_overlayer_lowered  }
0x13: {  	s23 =	simm.s32 $0x1BFF;
	s22 =	sshll.u32 s5, $0x1;
	s1 =	sadd.s32 s20, s19  }
0x14: {  	s6 =	simm.s32 $0x0;
	s21 =	sshll.u32 s4, $0x1;
	s4 =	sadd.s32 s22, s1  }
0x15: {  	[timem:s6], [sflag:s23] =	dma.local [hbm:s4], s21  }
0x16: {  	_ =	swait.ge [sflag:s23], s21  }
0x17: {  	s2 =	ssub.s32 $0x0, s21;
	[sflag:s23] =	ssyncset.done $0x0  }
0x18: {  	[sflag:s23] =	ssyncadd.s32 s2;
	_ =	sdelay $0x1  }
0x19: {  	s24 =	simm.s32 $0x1B8B  }
0x1a: {  	_ =	swait.ge [sflag:s24], $0x1  }
0x1b: {  	[sflag:s24] =	ssyncset.done $0x0  }
0x1c: {  	s26 =	simm.s32 $0x1B8E;
	s25 =	sld [smem:$0x3FFE];
	[sflag:s24] =	ssyncadd.s32 $0xFFFFFFFF  }
0x1d: {  	s27 =	simm.s32 $execute0_lowered;
	[smem:$0x3FD2] =	sst s26  }
0x1e: {  	s4 =	sshll.u32 s27, $0x1;
	_ =	strace $0x80000046;
	[dreg:$0x1] =	wrdreg $0xFFFFFFFF  }
0x1f: {  	s28 =	simm.s32 $_size_execute0_lowered;
	s1 =	sadd.s32 s1, s4;
	[dreg:$0x0] =	wrdreg $0x0  }
0x20: {  	s4 =	sshll.u32 s28, $0x1;
	[dreg:$0x2] =	wrdreg s1  }
0x21: {  	[dreg:$0x3] =	wrdreg s4  }
0x22: {  	[dreg:$0x4] =	wrdreg $0xC0  }
0x23: {  	_ =	task [dreg:s6], $0x5FFFF  }
0x24: {  	[dreg:$0x1] =	wrdreg $0xFFFFFFFF  }
0x25: {  	[dreg:$0x0] =	wrdreg $0x60  }
0x26: {  	[dreg:$0x2] =	wrdreg s25  }
0x27: {  	[dreg:$0x3] =	wrdreg $0x9  }
0x28: {  	_ =	task.clear_ibuf [dreg:s6], $0x4FFFF;
	_ =	strace $0x90000046  }
0x29: {  	s29 =	simm.s32 $0x9;
	_ =	strace $0x80000048  }
0x2a: {  	_ =	swait.ge [sflag:s29], $0x1  }
0x2b: {  	[sflag:s29] =	ssyncadd.s32 $0xFFFFFFFF  }
0x2c: {  	_ =	strace $0x90000048  }
0x2d: {  	_ =	sfence  }
0x2e: {  	s30 =	sld [smem:$0x0];
	_ =	sdelay $0x2  }
0x2f: {  	s31 =	sshll.u32 s3, $0xD;
	s3 =	sshrl.u32 s3, $0x2  }
0x30: {  	s2 =	sand.u32 $0x4000, s31;
	s1 =	sadd.s32 s3, s30  }
0x31: {  	s0 =	sor.u32 s2, s0;
	s1 =	sshll.u32 s1, $0x11  }
0x32: {  	s0 =	sor.u32 s1, s0  }
0x33: {  	s0 =	sadd.s32 $0x8F2B, s0  }
0x34: {  	[sflag:s0] =	ssyncadd.remote.s32 $0x1  }
0x35: {  	_ =	sfence.sel $0xFFFF  }
0x36: {  	[dreg:$0x0] =	wrdreg $0xFFFFFFFF;
	(pc) =	sbr.abs _section_cstart, $3  }
0x37: {  	[dreg:$0x1] =	wrdreg $0xFFFFFFFF  }
0x38: {  	_ =	task.clear_ibuf [dreg:s6], $0x2FFFF;
	_ =	strace $0x9FFFFFFF  }
0x39: {  	(tm) =	ssettm $0x7FFFFFFF  }
tec
execute0_lowered:
.L_overlay_start_1:
0x0: {  	(tag) =	ssettag $0x1  }
0x1: {  	s0 =	stileid.u32  }
0x2: {  	s1 =	srdreg.scid;
	s5 =	rddreg [dreg:$0x0];
	s31 =	simm.s32 $0x2  }
0x3: {  	s16 =	simm.s32 $0x0;
	s2 =	sshll.u32 s0, $0x6;
	s1 =	sshll.u32 s1, $0xA  }
0x4: {  	s9 =	simm.s32 $0x8000;
	s14 =	simm.s32 $0x0;
	s1 =	sor.u32 s2, s1  }
0x5: {  	s15 =	simm.s32 $0x0;
	s10 =	simm.s32 $0x0;
	s1 =	sand.u32 $0x780, s1  }
0x6: {  	s13 =	simm.s32 $0x0;
	s2 =	sand.u32 $0x1, s0;
	s3 =	ssub.s32 $0x1000, s1  }
0x7: {  	s4 =	ssub.s32 $0x2, s2;
	s12 =	smov.u32 s2;
	s6 =	sand.u32 $0x780, s3  }
0x8: {  	s7 =	sshrl.u32 s4, $0x1;
	p0 =	sne.s32 s6, $0x0;
	s6 =	simm.s32 $0x1  }
0x9: {  	s4 =	sand.u32 $0x1, s4;
	s8 =	sshrl.u32 s3, $0xB;
	s6 =	simm.s32 @!p0 $0x0  }
.Ltmp0:
0xa: {  	s4 =	sadd.s32 s4, s7;
	s6 =	sadd.s32 s6, s8;
	(pc) =	sbr.rel .LBB1_1-.Ltmp0, $4  }
0xb: {  	s11 =	smov.u32 s1;
	s3 =	rddreg [dreg:$0x1];
	s7 =	smul.u32 s6, s4  }
0xc: {  	_ =	strace $0x80000047;
	p0 =	por $0x0, $0x0;
	s6 =	simm.s32 $0x1  }
0xd: {  	s4 =	sadd.s32 $0x20000, s5;
	[sflag:s6] =	ssyncpa.u1 $0x0;
	s7 =	sshll.u32 s7, $0x5  }
0xe: {  	s5 =	sadd.s32 $0x420000, s5;
	[sflag:s31] =	ssyncpa.u1 $0x0;
	s8 =	sor.u32 $0x1, s7  }
.LBB1_4:
0xf: {  	v5 =	vld [tilespmem:s19+$0xFFFFFFD0]  }
0x10: {  	[tilespmem:s20+$0x2040 ss:$0x81] =	vst.msk $0xffff, v1;
	v58 =	vld [tilespmem:s19+$0xFFFFFFE0]  }
0x11: {  	[tilespmem:s20+$0x2850 ss:$0x81] =	vst.msk $0xffff, v2;
	v59 =	vld [tilespmem:s19+$0xFFFFFFF0]  }
0x12: {  	s21 =	sshra.s32 s21, $0x2;
	[tilespmem:s20+$0x3060 ss:$0x81] =	vst.msk $0xffff, v3;
	v60 =	vld [tilespmem:s19+$0x0]  }
0x13: {  	[tilespmem:s20+$0x0 ss:$0x81] =	vst.msk $0xffff, v0;
	v61 =	vld [tilespmem:s19+$0x10];
	s18 =	sadd.s32 s21, s18  }
0x14: {  	s26 =	sshll.u32 s16, $0xC;
	v62 =	vld [tilespmem:s19+$0x20];
	[tilespmem:s18+$0x3870 ss:$0x81] =	vst.msk $0xffff, v4  }
0x15: {  	s27 =	sand.u32 $0x78, s14;
	s22 =	sshll.u32 s14, $0x3;
	v63 =	vld [tilespmem:s19+$0xFFFFFFC0];
	s29 =	sshll.u32 s16, $0x7;
	[tilespmem:s18+$0x810 ss:$0x81] =	vst.msk $0xffff, v5  }
0x16: {  	s15 =	sshll.u32 s15, $0x15;
	s20 =	sand.u32 $0xFF8000, s26;
	s28 =	sand.u32 $0xFFFC00, s22;
	[tilespmem:s18+$0x1020 ss:$0x81] =	vst.msk $0xffff, v58  }
0x17: {  	s31 =	sand.u32 $0x7, s14;
	s22 =	sand.u32 $0xC00, s22;
	s19 =	sadd.s32 s28, s20;
	[tilespmem:s18+$0x1830 ss:$0x81] =	vst.msk $0xffff, v59  }
0x18: {  	s16 =	sand.u32 $0x380, s29;
	s30 =	sor.u32 s27, s22;
	s19 =	sshrl.u32 s19, $0x3;
	[tilespmem:s18+$0x2040 ss:$0x81] =	vst.msk $0xffff, v60  }
0x19: {  	s15 =	sadd.s32 s5, s15;
	s16 =	sor.u32 s16, s30;
	s19 =	sand.u32 $0x1FFE00, s19;
	[tilespmem:s18+$0x2850 ss:$0x81] =	vst.msk $0xffff, v61  }
0x1a: {  	s14 =	sshll.u32 s31, $0x12;
	s16 =	sshrl.u32 s16, $0x3;
	[tilespmem:s18+$0x3060 ss:$0x81] =	vst.msk $0xffff, v62;
	s15 =	sadd.s32 s19, s15  }
0x1b: {  	s14 =	sor.u32 $0x400, s14;
	[tilespmem:s18+$0x0 ss:$0x81] =	vst.msk $0xffff, v63;
	s15 =	sadd.s32 s16, s15  }
0x1c: {  	[hbm4b:s15+s14] =	stream.strided.scatter [tilespmem:s17], [sflag:$0x2], $0x4000, s9, s14, $0x20;
	[tilespmem:$0x10100] =	vst v63  }
.LBB1_5:
0x1d: {  	s17 =	sadd.s32 $0x80, s10  }
0x1e: {  	s14 =	sadd.s32 $0x800, s11;
	s18 =	smov.u32 s11;
	p2 =	sgt.s32 s17, $0xFFF  }
0x1f: {  	s18 =	smov.u32 @p2 s14  }
0x20: {  	s20 =	smov.u32 s12;
	s14 =	sadd.s32 $0x2, s12;
	p3 =	sgt.s32 s18, $0xFFF  }
0x21: {  	s20 =	smov.u32 @p3 s14  }
0x22: {  	s17 =	simm.s32 @p2 $0x0;
	p2 =	sgt.s32 s20, $0x1  }
0x23: {  	p1 =	slt.u32 s13, $0x2;
	s20 =	smov.u32 @p2 s2;
	p2 =	sne.s32 s13, s8  }
.Ltmp1:
0x24: {  	s19 =	simm.s32 @!p1 $0x2;
	(pc) =	sbr.rel @!p2 .LBB1_6-.Ltmp1, $4  }
0x25: {  	s16 =	smov.u32 s10;
	s15 =	smov.u32 s12;
	_ =	swait.ge @!p1 [sflag:s19], $0x4000  }
0x26: {  	p0 =	por !p0, !p0;
	[sflag:s19] =	ssyncset.done @!p1 $0x0;
	s10 =	smov.u32 s17  }
0x27: {  	s18 =	smov.u32 @p3 s1;
	s14 =	smov.u32 s11;
	[sflag:s19] =	ssyncadd.s32 @!p1 $0xFFFFC000  }
0x28: {  	s11 =	smov.u32 s18;
	s13 =	sadd.s32 $0x1, s13;
	s12 =	smov.u32 s20  }
.LBB1_1:
0x29: {  	p1 =	sge.u32 s13, s7;
	s31 =	sadd.s32 $0xFFFFFFFF, s13  }
0x2a: {  	s17 =	sxor.u32 @!p1 $0xFFFFFFFF, s13;
	s18 =	sand.u32 @!p1 $0x78, s10;
	s19 =	sshll.u32 @!p1 s11, $0xC  }
0x2b: {  	s20 =	sshll.u32 @!p1 s11, $0x7;
	s21 =	sshll.u32 @!p1 s10, $0x3;
	s17 =	sshll.u32 @!p1 s17, $0xE  }
0x2c: {  	s19 =	sand.u32 @!p1 $0xFF8000, s19;
	s20 =	sand.u32 @!p1 $0x380, s20;
	s17 =	sand.u32 @!p1 $0x4000, s17  }
0x2d: {  	s19 =	sadd.s32 @!p1 s19, s21;
	s21 =	sand.u32 @!p1 $0xC00, s21;
	s18 =	sor.u32 @!p1 s20, s18  }
0x2e: {  	s20 =	sshll.u32 @!p1 s12, $0x15;
	s18 =	sor.u32 @!p1 s21, s18;
	s19 =	sshrl.u32 @!p1 s19, $0x3  }
0x2f: {  	s20 =	sadd.s32 @!p1 s4, s20;
	s21 =	sand.u32 @!p1 $0x7, s10;
	s19 =	sand.u32 @!p1 $0x1FFE00, s19  }
0x30: {  	s18 =	sshrl.u32 @!p1 s18, $0x3;
	s19 =	sadd.s32 @!p1 s19, s20;
	s20 =	sshll.u32 @!p1 s21, $0x12  }
0x31: {  	s18 =	sadd.s32 @!p1 s18, s19;
	s19 =	sor.u32 @!p1 $0x400, s20;
	s20 =	simm.s32 @!p1 $0x8000  }
0x32: {  	[tilespmem:s17], [sflag:$0x1] =	stream.strided.gather @!p1 [hbm4b:s18+s19], $0x4000, s20, s19, $0x38;
	[tilespmem:$0x10100] =	vst v63  }
0x33: {  	p1 =	sge.u32 s31, s7  }
.Ltmp2:
0x34: {  	_ = 	snop;
	(pc) =	sbr.rel @p1 .LBB1_5-.Ltmp2, $1  }
0x35: {  	_ =	sdelay $0x3  }
0x36: {  	s17 =	simm.s32 $0x1  }
0x37: {  	_ =	swait.ge [sflag:s6], $0x4000;
	s17 =	simm.s32 @!p0 $0x0  }
0x38: {  	[sflag:s6] =	ssyncset.done $0x0;
	s18 =	sshll.u32 s17, $0xE  }
0x39: {  	[sflag:s6] =	ssyncadd.s32 $0xFFFFC000;
	s19 =	sor.u32 $0x40, s18  }
0x3a: {  	s17 =	smul.u32 $0x10200, s17;
	v0 =	vld [tilespmem:s19+$0x30]  }
0x3b: {  	v3 =	vld [tilespmem:s19+$0xFFFFFFD0]  }
0x3c: {  	s17 =	sshrl.u32 s17, $0x2;
	v4 =	vld [tilespmem:s19+$0xFFFFFFE0]  }
0x3d: {  	v5 =	vld [tilespmem:s19+$0xFFFFFFF0];
	s18 =	sor.u32 $0x8000, s17  }
0x3e: {  	s31 =	sand.u32 $0x1, s13;
	v1 =	vld [tilespmem:s19+$0x0];
	s20 =	sadd.s32 $0x0, s18  }
0x3f: {  	v2 =	vld [tilespmem:s19+$0x10];
	s17 =	smul.u32 $0x10200, s31;
	[tilespmem:s20+$0x3870 ss:$0x81] =	vst.msk $0xffff, v0  }
0x40: {  	[tilespmem:s20+$0x810 ss:$0x81] =	vst.msk $0xffff, v3;
	v3 =	vld [tilespmem:s19+$0x20]  }
0x41: {  	s17 =	sshrl.u32 s17, $0x2;
	v0 =	vld [tilespmem:s19+$0xFFFFFFC0];
	[tilespmem:s20+$0x1020 ss:$0x81] =	vst.msk $0xffff, v4;
	s19 =	sadd.s32 $0x80, s19  }
0x42: {  	s21 =	simm.s32 $0x4;
	s22 =	simm.s32 $0x8;
	s17 =	sor.u32 $0x8000, s17;
	[tilespmem:s20+$0x1830 ss:$0x81] =	vst.msk $0xffff, v5;
	v4 =	vld [tilespmem:s19+$0x30]  }
.LBB1_3:
0x43: {  	p1 =	sne.s32 s22, $0x1FC;
	v5 =	vld [tilespmem:s19+$0xFFFFFFD0];
	[tilespmem:s20+$0x2040 ss:$0x81] =	vst.msk $0xffff, v1  }
0x44: {  	v6 =	vld [tilespmem:s19+$0xFFFFFFE0];
	[tilespmem:s20+$0x2850 ss:$0x81] =	vst.msk $0xffff, v2  }
0x45: {  	s23 =	sshra.s32 s21, $0x2;
	s21 =	smov.u32 s22;
	v7 =	vld [tilespmem:s19+$0xFFFFFFF0];
	[tilespmem:s20+$0x3060 ss:$0x81] =	vst.msk $0xffff, v3  }
.Ltmp3:
0x46: {  	v1 =	vld [tilespmem:s19+$0x0];
	[tilespmem:s20+$0x0 ss:$0x81] =	vst.msk $0xffff, v0;
	s20 =	sadd.s32 s23, s18;
	(pc) =	sbr.rel @p1 .LBB1_3-.Ltmp3, $4  }
0x47: {  	v2 =	vld [tilespmem:s19+$0x10];
	[tilespmem:s20+$0x3870 ss:$0x81] =	vst.msk $0xffff, v4  }
0x48: {  	[tilespmem:s20+$0x810 ss:$0x81] =	vst.msk $0xffff, v5;
	v3 =	vld [tilespmem:s19+$0x20]  }
0x49: {  	v0 =	vld [tilespmem:s19+$0xFFFFFFC0];
	[tilespmem:s20+$0x1020 ss:$0x81] =	vst.msk $0xffff, v6;
	s19 =	sadd.s32 $0x80, s19  }
0x4a: {  	s22 =	sadd.s32 $0x4, s22;
	v4 =	vld [tilespmem:s19+$0x30];
	[tilespmem:s20+$0x1830 ss:$0x81] =	vst.msk $0xffff, v7  }
.Ltmp4:
0x4b: {  	_ = 	snop;
	(pc) =	sbr.rel .LBB1_4-.Ltmp4, $1  }
0x4c: {  	_ =	sdelay $0x3  }
.LBB1_6:
0x4d: {  	_ =	sfence.sel $0x180000  }
0x4e: {  	s1 =	simm.s32 $0x1;
	[bflag:$0x0] =	sbarrier.arrive $0xFFFF  }
0x4f: {  	s31 =	simm.s32 $0x2;
	[sflag:s1] =	ssyncpa.u1 $0x1  }
0x50: {  	[sflag:s31] =	ssyncpa.u1 $0x1  }
0x51: {  	p0 =	sne.s32 s0, $0x0;
	_ =	strace $0x90000047  }
0x52: {  	s0 =	sadd.s32 @!p0 $0x100000, s3;
	[bflag:$0x2] =	sbarrier.arrive $0xFFFF  }
0x53: {  	[sflag:s0] =	ssyncadd.tile.s32 @!p0 $0x1;
	_ =	shalt  }
.Lfunc_end1:
_tile_overlayer_lowered:
.L_overlay_start_2:
0x54: {  	(tag) =	ssettag $0x2  }
0x55: {  	s0 =	rddreg [dreg:$0x0];
	s2 =	stileid.u32  }
0x56: {  	s1 =	rddreg [dreg:$0x1];
	p0 =	sne.s32 s2, $0x0  }
0x57: {  	s3 =	rddreg [dreg:$0x2];
	[bflag:$0x3] =	sbarrier.arrive $0xFFFF;
	s2 =	simm.s32 @!p0 $0x1C01  }
0x58: {  	[timem:s3], [sflag:s2] =	dma.local @!p0 [hbm:s0], s1  }
0x59: {  	s0 =	simm.s32 @!p0 $0x1  }
0x5a: {  	_ =	swait.ge @!p0 [sflag:s0], s1  }
0x5b: {  	s1 =	ssub.s32 @!p0 $0x0, s1;
	[sflag:s0] =	ssyncset.done @!p0 $0x0  }
0x5c: {  	[sflag:s0] =	ssyncadd.s32 @!p0 s1  }
0x5d: {  	[bflag:$0x3] =	sbarrier.arrive $0xFFFF  }
0x5e: {  	_ =	shalt  }

</sc_bundles>
